<compile_context>
chip_gen: v7x
topology: tpu7x:2x2x1
jax: 0.10.2.dev20260603
libtpu: 0.0.44.dev20260713+nightly
codegen_flags: <defaults>
</compile_context>

<pallas_src>
import functools

import jax
import jax.numpy as jnp
from jax import lax
from jax.experimental import pallas as pl
from jax.experimental.pallas import tpu as pltpu
from jax.experimental.pallas import tpu_sc as plsc


def _detile_body(tt_ref, eye_ref, out_ref):
    tt = tt_ref[...]
    e, blk = tt.shape
    y = lax.dot_general(tt, eye_ref[...], (((0,), (0,)), ((), ())),
                        preferred_element_type=jnp.float32)
    y3 = y.reshape(blk // 8, 8, e)
    pieces = [y3[:, c, :] for c in range(8)]
    out_ref[...] = jnp.concatenate(pieces, axis=1)


def _detile(tableT):
    e, v = tableT.shape
    blk = 4096
    grid = (v + blk - 1) // blk
    return pl.pallas_call(
        _detile_body,
        grid=(grid,),
        in_specs=[pl.BlockSpec((e, blk), lambda i: (0, i)),
                  pl.BlockSpec((e, e), lambda i: (0, 0))],
        out_specs=pl.BlockSpec((blk * e // 128, 128), lambda i: (i, 0)),
        out_shape=jax.ShapeDtypeStruct((v * e // 128, 128), jnp.float32),
        compiler_params=pltpu.CompilerParams(fuse_transposed_lhs_in_matmul=True),
    )(tableT, jnp.eye(e, dtype=jnp.float32))


def _sc_gather(table, idx_flat):
    n_total = idx_flat.shape[0]
    v, e = table.shape
    info = plsc.get_sparse_core_info()
    num_cores, num_subcores = info.num_cores, info.num_subcores
    nw = num_cores * num_subcores
    per_w = n_total // nw
    chunk = 4096
    while per_w % chunk:
        chunk //= 2
    n_ch = per_w // chunk

    mesh = plsc.VectorSubcoreMesh(core_axis_name="c", subcore_axis_name="s")

    @functools.partial(
        pl.kernel,
        mesh=mesh,
        out_type=jax.ShapeDtypeStruct((n_total, e), jnp.float32),
        scratch_types=[
            pltpu.VMEM((chunk,), jnp.int32),
            pltpu.VMEM((chunk, e), jnp.float32),
            pltpu.SemaphoreType.DMA,
        ],
        compiler_params=pltpu.CompilerParams(use_tc_tiling_on_sc=False),
    )
    def k(table_hbm, idx_hbm, out_hbm, idx_v, rows_v, sem):
        wid = lax.axis_index("s") * num_cores + lax.axis_index("c")
        base = wid * per_w
        for c in range(n_ch):
            off = base + c * chunk
            pltpu.sync_copy(idx_hbm.at[pl.ds(off, chunk)], idx_v)
            pltpu.async_copy(table_hbm.at[idx_v], rows_v, sem).wait()
            pltpu.sync_copy(rows_v, out_hbm.at[pl.ds(off, chunk)])

    return k(table, idx_flat)


def _deepfm_body(r128_ref, r512_ref, w1_ref, b1_ref, w2_ref, b2_ref,
                 w3_ref, b3_ref, w4_ref, b4_ref, wsel_ref, g_ref,
                 wout_ref, bout_ref, out_ref):
    x = r128_ref[...]
    h = jnp.maximum(jnp.dot(x, w1_ref[...], preferred_element_type=jnp.float32)
                    + b1_ref[...], 0.0)
    h = jnp.maximum(jnp.dot(h, w2_ref[...], preferred_element_type=jnp.float32)
                    + b2_ref[...], 0.0)
    h = jnp.maximum(jnp.dot(h, w3_ref[...], preferred_element_type=jnp.float32)
                    + b3_ref[...], 0.0)
    s8 = jnp.dot(h, w4_ref[...], preferred_element_type=jnp.float32) \
        + b4_ref[...]
    bb = s8.shape[0] // 4
    s_all = jnp.dot(s8, wsel_ref[:, 0:1],
                    preferred_element_type=jnp.float32)
    s_head = jnp.dot(s8, wsel_ref[:, 1:2],
                     preferred_element_type=jnp.float32)
    rowmod = lax.broadcasted_iota(jnp.int32, s_all.shape, 0) % 4
    srow = jnp.where(rowmod == 3, s_head, s_all)
    dnn = jnp.sum(srow.reshape(bb, 4, 1), axis=1)
    xb = r512_ref[...]
    g = g_ref[...]
    sums = jnp.dot(xb, g, preferred_element_type=jnp.float32)
    sumsq = jnp.dot(xb * xb, g, preferred_element_type=jnp.float32)
    fm = 0.5 * (sums * sums - sumsq)
    final = fm + dnn
    z = jnp.dot(final, wout_ref[...], preferred_element_type=jnp.float32) \
        + bout_ref[...]
    out_ref[...] = 1.0 / (1.0 + jnp.exp(-z))


def _tc_deepfm(rows, b, f_pad, W1, b1, W2, b2, W3, b3, W4, b4, Wout, bout):
    e = 16
    eye8 = jnp.eye(8, dtype=jnp.float32)
    w1b = jnp.kron(eye8, W1)
    w2b = jnp.kron(eye8, W2)
    w3b = jnp.kron(eye8, W3)
    w4b = jnp.kron(eye8, W4)
    b1b = jnp.tile(b1, 8).reshape(1, -1)
    b2b = jnp.tile(b2, 8).reshape(1, -1)
    b3b = jnp.tile(b3, 8).reshape(1, -1)
    b4b = jnp.tile(b4, 8).reshape(1, -1)
    wsel = jnp.stack([jnp.ones(8, jnp.float32),
                      (jnp.arange(8) < 2).astype(jnp.float32)], axis=1)
    g = jnp.tile(jnp.eye(e, dtype=jnp.float32), (f_pad, 1)) * \
        (jnp.arange(f_pad * e) // e < 26).astype(jnp.float32)[:, None]

    r128 = rows.reshape(b * f_pad * e // 128, 128)
    r512 = rows.reshape(b, f_pad * e)

    bb = 1024
    grid = (b // bb,)
    full = lambda shp: pl.BlockSpec(shp, lambda i: tuple(0 for _ in shp))
    return pl.pallas_call(
        _deepfm_body,
        grid=grid,
        in_specs=[
            pl.BlockSpec((bb * f_pad * e // 128, 128), lambda i: (i, 0)),
            pl.BlockSpec((bb, f_pad * e), lambda i: (i, 0)),
            full(w1b.shape), full(b1b.shape),
            full(w2b.shape), full(b2b.shape),
            full(w3b.shape), full(b3b.shape),
            full(w4b.shape), full(b4b.shape),
            full(wsel.shape), full(g.shape),
            full(Wout.shape), full((1, 1)),
        ],
        out_specs=pl.BlockSpec((bb, 1), lambda i: (i, 0)),
        out_shape=jax.ShapeDtypeStruct((b, 1), jnp.float32),
    )(r128, r512, w1b, b1b, w2b, b2b, w3b, b3b, w4b, b4b, wsel, g,
      Wout, bout.reshape(1, 1))


def kernel(inputs, table, W1, b1, W2, b2, W3, b3, W4, b4, Wout, bout):
    b, f = inputs.shape
    v, e = table.shape
    f_pad = 32
    npad = f_pad - f
    pad = (lax.broadcasted_iota(jnp.int32, (b, npad), 0) * npad
           + lax.broadcasted_iota(jnp.int32, (b, npad), 1)) % v
    idx = jnp.concatenate([inputs.astype(jnp.int32), pad], axis=1)
    idx = idx.reshape(b * f_pad)
    table_lin = _detile(jnp.transpose(table)).reshape(v, e)
    rows = _sc_gather(table_lin, idx)
    return _tc_deepfm(rows, b, f_pad, W1, b1, W2, b2, W3, b3, W4, b4,
                      Wout, bout)

# --- scband reference (transcript-rebuilt; emitter-appended) ---
"""Pipeline reference for scband-deep-fm-43860206026828 (READ-ONLY COPY).

The authoritative reference and input builder live on the scoring server;
editing this copy changes nothing except your own understanding.
"""

import jax, jax.numpy as jnp
import numpy as np

V = 1000000
E = 16
B = 16384
F = 26
NC = 1


def setup_inputs(seed: int = 0) -> dict:
    key = jax.random.key(seed)
    ks = jax.random.split(key, 12)
    inputs = jax.random.randint(ks[0], (B, F), 0, V)
    table = jax.random.normal(ks[1], (V, E), dtype=jnp.float32) * 0.02
    W1 = jax.random.normal(ks[2], (E, 128), dtype=jnp.float32) * 0.05
    b1 = jnp.zeros((128,), dtype=jnp.float32)
    W2 = jax.random.normal(ks[3], (128, 64), dtype=jnp.float32) * 0.05
    b2 = jnp.zeros((64,), dtype=jnp.float32)
    W3 = jax.random.normal(ks[4], (64, 32), dtype=jnp.float32) * 0.05
    b3 = jnp.zeros((32,), dtype=jnp.float32)
    W4 = jax.random.normal(ks[5], (32, 1), dtype=jnp.float32) * 0.05
    b4 = jnp.zeros((1,), dtype=jnp.float32)
    Wout = jax.random.normal(ks[6], (E, NC), dtype=jnp.float32) * 0.05
    bout = jnp.zeros((NC,), dtype=jnp.float32)
    return {"inputs": inputs, "table": table, "W1": W1, "b1": b1, "W2": W2, "b2": b2,
            "W3": W3, "b3": b3, "W4": W4, "b4": b4, "Wout": Wout, "bout": bout}


def reference(inputs, table, W1, b1, W2, b2, W3, b3, W4, b4, Wout, bout):
    # Embedding lookup: [B, F, E]
    embeddings = jnp.take(table, inputs, axis=0)
    # FM second-order term
    summed_embeddings = jnp.sum(embeddings, axis=1)                 # [B, E]
    squared_sum_embeddings = jnp.square(summed_embeddings)          # [B, E]
    summed_square_embeddings = jnp.sum(jnp.square(embeddings), axis=1)  # [B, E]
    fm_output = 0.5 * (squared_sum_embeddings - summed_square_embeddings)
    # DNN applied per field-embedding
    h = jax.nn.relu(embeddings @ W1 + b1)
    h = jax.nn.relu(h @ W2 + b2)
    h = jax.nn.relu(h @ W3 + b3)
    dnn_output = h @ W4 + b4                                        # [B, F, 1]
    dnn_output = jnp.sum(dnn_output, axis=1)                        # [B, 1]
    final_output = fm_output + dnn_output                           # [B, E] via broadcast
    return jax.nn.sigmoid(final_output @ Wout + bout)               # [B, NC]

if __name__ == "__main__":
    import jax
    _d = setup_inputs()
    print(jax.jit(kernel)(*tuple(_d.values())))

</pallas_src>

<mosaic_0001>
#map = affine_map<(d0, d1) -> (0, 0)>
#map1 = affine_map<(d0, d1) -> (0)>
module attributes {stable_mosaic.version = 14 : i64} {
  func.func @k(%arg0: i32, %arg1: i32, %arg2: memref<1000000x16xf32, #tpu.memory_space<hbm>>, %arg3: memref<524288xi32, #tpu.memory_space<hbm>>, %arg4: memref<524288x16xf32, #tpu.memory_space<hbm>>, %arg5: memref<4096xi32, #tpu.memory_space<vmem>>, %arg6: memref<4096x16xf32, #tpu.memory_space<vmem>>, %arg7: memref<!tpu.dma_semaphore, #tpu.memory_space<semaphore_mem>>) attributes {dimension_semantics = [#tpu.dimension_semantics<core_parallel>, #tpu.dimension_semantics<subcore_parallel>], iteration_bounds = array<i64: 2, 16>, scalar_prefetch = 0 : i64, scratch_operands = 3 : i64, tpu.core_type = #tpu.core_type<sc_vector_subcore>, window_params = [{transform_indices = #map}, {transform_indices = #map1}, {transform_indices = #map}]} {
    %mul3A = arith.constant 2 : i32
    %mul3A_0 = arith.muli %arg1, %mul3A : i32
    %add3A = arith.addi %mul3A_0, %arg0 : i32
    %mul3A_1 = arith.constant 16384 : i32
    %mul3A_2 = arith.muli %add3A, %mul3A_1 : i32
    %add3A_3 = arith.constant 0 : i32
    %add3A_4 = arith.addi %mul3A_2, %add3A_3 : i32
    "tpu.region"() ({
      %run_scoped3A = tpu.sem_alloc : memref<!tpu.dma_semaphore, #tpu.memory_space<semaphore_mem>>
      %dma_start3A_33 = tpu.memref_slice %arg3[%add3A_4] : memref<524288xi32, #tpu.memory_space<hbm>> -> memref<4096xi32, #tpu.memory_space<hbm>>
      %dma_start3A_34 = tpu.memref_slice %arg3[%add3A_4] : memref<524288xi32, #tpu.memory_space<hbm>> -> memref<4096xi32, #tpu.memory_space<hbm>>
      tpu.enqueue_dma source(%dma_start3A_34 : memref<4096xi32, #tpu.memory_space<hbm>>) target(%arg5 : memref<4096xi32, #tpu.memory_space<vmem>>) target_semaphore(%run_scoped3A : memref<!tpu.dma_semaphore, #tpu.memory_space<semaphore_mem>>)
      %dma_wait3A_35 = tpu.memref_slice %arg3[%add3A_4] : memref<524288xi32, #tpu.memory_space<hbm>> -> memref<4096xi32, #tpu.memory_space<hbm>>
      %dma_wait3A_36 = tpu.memref_slice %arg3[%add3A_4] : memref<524288xi32, #tpu.memory_space<hbm>> -> memref<4096xi32, #tpu.memory_space<hbm>>
      tpu.wait_dma2 semaphore(%run_scoped3A : memref<!tpu.dma_semaphore, #tpu.memory_space<semaphore_mem>>) src(%dma_wait3A_36 : memref<4096xi32, #tpu.memory_space<hbm>>) dst(%arg5 : memref<4096xi32, #tpu.memory_space<vmem>>)
      tpu.yield
    }) : () -> ()
    %dma_start3A = arith.constant 0 : i32
    %dma_start3A_5 = arith.constant 0 : i32
    %dma_start3A_6 = tpu.memref_slice %arg2[%dma_start3A, %dma_start3A_5] : memref<1000000x16xf32, #tpu.memory_space<hbm>> -> memref<1000000x16xf32, #tpu.memory_space<hbm>>
    tpu.enqueue_indirect_dma source(%dma_start3A_6 : memref<1000000x16xf32, #tpu.memory_space<hbm>>) target(%arg6 : memref<4096x16xf32, #tpu.memory_space<vmem>>) offsets(%arg5 : memref<4096xi32, #tpu.memory_space<vmem>>) semaphore(%arg7 : memref<!tpu.dma_semaphore, #tpu.memory_space<semaphore_mem>>)
    %dma_wait3A = arith.constant 0 : i32
    %dma_wait3A_7 = arith.constant 0 : i32
    %dma_wait3A_8 = tpu.memref_slice %arg2[%dma_wait3A, %dma_wait3A_7] : memref<1000000x16xf32, #tpu.memory_space<hbm>> -> memref<1000000x16xf32, #tpu.memory_space<hbm>>
    tpu.wait_indirect_dma semaphore(%arg7 : memref<!tpu.dma_semaphore, #tpu.memory_space<semaphore_mem>>) src(%dma_wait3A_8 : memref<1000000x16xf32, #tpu.memory_space<hbm>>) dst(%arg6 : memref<4096x16xf32, #tpu.memory_space<vmem>>)
    "tpu.region"() ({
      %run_scoped3A = tpu.sem_alloc : memref<!tpu.dma_semaphore, #tpu.memory_space<semaphore_mem>>
      %dma_start3A_33 = arith.constant 0 : i32
      %dma_start3A_34 = tpu.memref_slice %arg4[%add3A_4, %dma_start3A_33] : memref<524288x16xf32, #tpu.memory_space<hbm>> -> memref<4096x16xf32, #tpu.memory_space<hbm>>
      %dma_start3A_35 = arith.constant 0 : i32
      %dma_start3A_36 = tpu.memref_slice %arg4[%add3A_4, %dma_start3A_35] : memref<524288x16xf32, #tpu.memory_space<hbm>> -> memref<4096x16xf32, #tpu.memory_space<hbm>>
      tpu.enqueue_dma source(%arg6 : memref<4096x16xf32, #tpu.memory_space<vmem>>) target(%dma_start3A_36 : memref<4096x16xf32, #tpu.memory_space<hbm>>) target_semaphore(%run_scoped3A : memref<!tpu.dma_semaphore, #tpu.memory_space<semaphore_mem>>)
      %dma_wait3A_37 = arith.constant 0 : i32
      %dma_wait3A_38 = tpu.memref_slice %arg4[%add3A_4, %dma_wait3A_37] : memref<524288x16xf32, #tpu.memory_space<hbm>> -> memref<4096x16xf32, #tpu.memory_space<hbm>>
      %dma_wait3A_39 = arith.constant 0 : i32
      %dma_wait3A_40 = tpu.memref_slice %arg4[%add3A_4, %dma_wait3A_39] : memref<524288x16xf32, #tpu.memory_space<hbm>> -> memref<4096x16xf32, #tpu.memory_space<hbm>>
      tpu.wait_dma2 semaphore(%run_scoped3A : memref<!tpu.dma_semaphore, #tpu.memory_space<semaphore_mem>>) src(%arg6 : memref<4096x16xf32, #tpu.memory_space<vmem>>) dst(%dma_wait3A_40 : memref<4096x16xf32, #tpu.memory_space<hbm>>)
      tpu.yield
    }) : () -> ()
    %add3A_9 = arith.constant 4096 : i32
    %add3A_10 = arith.addi %mul3A_2, %add3A_9 : i32
    "tpu.region"() ({
      %run_scoped3A = tpu.sem_alloc : memref<!tpu.dma_semaphore, #tpu.memory_space<semaphore_mem>>
      %dma_start3A_33 = tpu.memref_slice %arg3[%add3A_10] : memref<524288xi32, #tpu.memory_space<hbm>> -> memref<4096xi32, #tpu.memory_space<hbm>>
      %dma_start3A_34 = tpu.memref_slice %arg3[%add3A_10] : memref<524288xi32, #tpu.memory_space<hbm>> -> memref<4096xi32, #tpu.memory_space<hbm>>
      tpu.enqueue_dma source(%dma_start3A_34 : memref<4096xi32, #tpu.memory_space<hbm>>) target(%arg5 : memref<4096xi32, #tpu.memory_space<vmem>>) target_semaphore(%run_scoped3A : memref<!tpu.dma_semaphore, #tpu.memory_space<semaphore_mem>>)
      %dma_wait3A_35 = tpu.memref_slice %arg3[%add3A_10] : memref<524288xi32, #tpu.memory_space<hbm>> -> memref<4096xi32, #tpu.memory_space<hbm>>
      %dma_wait3A_36 = tpu.memref_slice %arg3[%add3A_10] : memref<524288xi32, #tpu.memory_space<hbm>> -> memref<4096xi32, #tpu.memory_space<hbm>>
      tpu.wait_dma2 semaphore(%run_scoped3A : memref<!tpu.dma_semaphore, #tpu.memory_space<semaphore_mem>>) src(%dma_wait3A_36 : memref<4096xi32, #tpu.memory_space<hbm>>) dst(%arg5 : memref<4096xi32, #tpu.memory_space<vmem>>)
      tpu.yield
    }) : () -> ()
    %dma_start3A_11 = arith.constant 0 : i32
    %dma_start3A_12 = arith.constant 0 : i32
    %dma_start3A_13 = tpu.memref_slice %arg2[%dma_start3A_11, %dma_start3A_12] : memref<1000000x16xf32, #tpu.memory_space<hbm>> -> memref<1000000x16xf32, #tpu.memory_space<hbm>>
    tpu.enqueue_indirect_dma source(%dma_start3A_13 : memref<1000000x16xf32, #tpu.memory_space<hbm>>) target(%arg6 : memref<4096x16xf32, #tpu.memory_space<vmem>>) offsets(%arg5 : memref<4096xi32, #tpu.memory_space<vmem>>) semaphore(%arg7 : memref<!tpu.dma_semaphore, #tpu.memory_space<semaphore_mem>>)
    %dma_wait3A_14 = arith.constant 0 : i32
    %dma_wait3A_15 = arith.constant 0 : i32
    %dma_wait3A_16 = tpu.memref_slice %arg2[%dma_wait3A_14, %dma_wait3A_15] : memref<1000000x16xf32, #tpu.memory_space<hbm>> -> memref<1000000x16xf32, #tpu.memory_space<hbm>>
    tpu.wait_indirect_dma semaphore(%arg7 : memref<!tpu.dma_semaphore, #tpu.memory_space<semaphore_mem>>) src(%dma_wait3A_16 : memref<1000000x16xf32, #tpu.memory_space<hbm>>) dst(%arg6 : memref<4096x16xf32, #tpu.memory_space<vmem>>)
    "tpu.region"() ({
      %run_scoped3A = tpu.sem_alloc : memref<!tpu.dma_semaphore, #tpu.memory_space<semaphore_mem>>
      %dma_start3A_33 = arith.constant 0 : i32
      %dma_start3A_34 = tpu.memref_slice %arg4[%add3A_10, %dma_start3A_33] : memref<524288x16xf32, #tpu.memory_space<hbm>> -> memref<4096x16xf32, #tpu.memory_space<hbm>>
      %dma_start3A_35 = arith.constant 0 : i32
      %dma_start3A_36 = tpu.memref_slice %arg4[%add3A_10, %dma_start3A_35] : memref<524288x16xf32, #tpu.memory_space<hbm>> -> memref<4096x16xf32, #tpu.memory_space<hbm>>
      tpu.enqueue_dma source(%arg6 : memref<4096x16xf32, #tpu.memory_space<vmem>>) target(%dma_start3A_36 : memref<4096x16xf32, #tpu.memory_space<hbm>>) target_semaphore(%run_scoped3A : memref<!tpu.dma_semaphore, #tpu.memory_space<semaphore_mem>>)
      %dma_wait3A_37 = arith.constant 0 : i32
      %dma_wait3A_38 = tpu.memref_slice %arg4[%add3A_10, %dma_wait3A_37] : memref<524288x16xf32, #tpu.memory_space<hbm>> -> memref<4096x16xf32, #tpu.memory_space<hbm>>
      %dma_wait3A_39 = arith.constant 0 : i32
      %dma_wait3A_40 = tpu.memref_slice %arg4[%add3A_10, %dma_wait3A_39] : memref<524288x16xf32, #tpu.memory_space<hbm>> -> memref<4096x16xf32, #tpu.memory_space<hbm>>
      tpu.wait_dma2 semaphore(%run_scoped3A : memref<!tpu.dma_semaphore, #tpu.memory_space<semaphore_mem>>) src(%arg6 : memref<4096x16xf32, #tpu.memory_space<vmem>>) dst(%dma_wait3A_40 : memref<4096x16xf32, #tpu.memory_space<hbm>>)
      tpu.yield
    }) : () -> ()
    %add3A_17 = arith.constant 8192 : i32
    %add3A_18 = arith.addi %mul3A_2, %add3A_17 : i32
    "tpu.region"() ({
      %run_scoped3A = tpu.sem_alloc : memref<!tpu.dma_semaphore, #tpu.memory_space<semaphore_mem>>
      %dma_start3A_33 = tpu.memref_slice %arg3[%add3A_18] : memref<524288xi32, #tpu.memory_space<hbm>> -> memref<4096xi32, #tpu.memory_space<hbm>>
      %dma_start3A_34 = tpu.memref_slice %arg3[%add3A_18] : memref<524288xi32, #tpu.memory_space<hbm>> -> memref<4096xi32, #tpu.memory_space<hbm>>
      tpu.enqueue_dma source(%dma_start3A_34 : memref<4096xi32, #tpu.memory_space<hbm>>) target(%arg5 : memref<4096xi32, #tpu.memory_space<vmem>>) target_semaphore(%run_scoped3A : memref<!tpu.dma_semaphore, #tpu.memory_space<semaphore_mem>>)
      %dma_wait3A_35 = tpu.memref_slice %arg3[%add3A_18] : memref<524288xi32, #tpu.memory_space<hbm>> -> memref<4096xi32, #tpu.memory_space<hbm>>
      %dma_wait3A_36 = tpu.memref_slice %arg3[%add3A_18] : memref<524288xi32, #tpu.memory_space<hbm>> -> memref<4096xi32, #tpu.memory_space<hbm>>
      tpu.wait_dma2 semaphore(%run_scoped3A : memref<!tpu.dma_semaphore, #tpu.memory_space<semaphore_mem>>) src(%dma_wait3A_36 : memref<4096xi32, #tpu.memory_space<hbm>>) dst(%arg5 : memref<4096xi32, #tpu.memory_space<vmem>>)
      tpu.yield
    }) : () -> ()
    %dma_start3A_19 = arith.constant 0 : i32
    %dma_start3A_20 = arith.constant 0 : i32
    %dma_start3A_21 = tpu.memref_slice %arg2[%dma_start3A_19, %dma_start3A_20] : memref<1000000x16xf32, #tpu.memory_space<hbm>> -> memref<1000000x16xf32, #tpu.memory_space<hbm>>
    tpu.enqueue_indirect_dma source(%dma_start3A_21 : memref<1000000x16xf32, #tpu.memory_space<hbm>>) target(%arg6 : memref<4096x16xf32, #tpu.memory_space<vmem>>) offsets(%arg5 : memref<4096xi32, #tpu.memory_space<vmem>>) semaphore(%arg7 : memref<!tpu.dma_semaphore, #tpu.memory_space<semaphore_mem>>)
    %dma_wait3A_22 = arith.constant 0 : i32
    %dma_wait3A_23 = arith.constant 0 : i32
    %dma_wait3A_24 = tpu.memref_slice %arg2[%dma_wait3A_22, %dma_wait3A_23] : memref<1000000x16xf32, #tpu.memory_space<hbm>> -> memref<1000000x16xf32, #tpu.memory_space<hbm>>
    tpu.wait_indirect_dma semaphore(%arg7 : memref<!tpu.dma_semaphore, #tpu.memory_space<semaphore_mem>>) src(%dma_wait3A_24 : memref<1000000x16xf32, #tpu.memory_space<hbm>>) dst(%arg6 : memref<4096x16xf32, #tpu.memory_space<vmem>>)
    "tpu.region"() ({
      %run_scoped3A = tpu.sem_alloc : memref<!tpu.dma_semaphore, #tpu.memory_space<semaphore_mem>>
      %dma_start3A_33 = arith.constant 0 : i32
      %dma_start3A_34 = tpu.memref_slice %arg4[%add3A_18, %dma_start3A_33] : memref<524288x16xf32, #tpu.memory_space<hbm>> -> memref<4096x16xf32, #tpu.memory_space<hbm>>
      %dma_start3A_35 = arith.constant 0 : i32
      %dma_start3A_36 = tpu.memref_slice %arg4[%add3A_18, %dma_start3A_35] : memref<524288x16xf32, #tpu.memory_space<hbm>> -> memref<4096x16xf32, #tpu.memory_space<hbm>>
      tpu.enqueue_dma source(%arg6 : memref<4096x16xf32, #tpu.memory_space<vmem>>) target(%dma_start3A_36 : memref<4096x16xf32, #tpu.memory_space<hbm>>) target_semaphore(%run_scoped3A : memref<!tpu.dma_semaphore, #tpu.memory_space<semaphore_mem>>)
      %dma_wait3A_37 = arith.constant 0 : i32
      %dma_wait3A_38 = tpu.memref_slice %arg4[%add3A_18, %dma_wait3A_37] : memref<524288x16xf32, #tpu.memory_space<hbm>> -> memref<4096x16xf32, #tpu.memory_space<hbm>>
      %dma_wait3A_39 = arith.constant 0 : i32
      %dma_wait3A_40 = tpu.memref_slice %arg4[%add3A_18, %dma_wait3A_39] : memref<524288x16xf32, #tpu.memory_space<hbm>> -> memref<4096x16xf32, #tpu.memory_space<hbm>>
      tpu.wait_dma2 semaphore(%run_scoped3A : memref<!tpu.dma_semaphore, #tpu.memory_space<semaphore_mem>>) src(%arg6 : memref<4096x16xf32, #tpu.memory_space<vmem>>) dst(%dma_wait3A_40 : memref<4096x16xf32, #tpu.memory_space<hbm>>)
      tpu.yield
    }) : () -> ()
    %add3A_25 = arith.constant 12288 : i32
    %add3A_26 = arith.addi %mul3A_2, %add3A_25 : i32
    "tpu.region"() ({
      %run_scoped3A = tpu.sem_alloc : memref<!tpu.dma_semaphore, #tpu.memory_space<semaphore_mem>>
      %dma_start3A_33 = tpu.memref_slice %arg3[%add3A_26] : memref<524288xi32, #tpu.memory_space<hbm>> -> memref<4096xi32, #tpu.memory_space<hbm>>
      %dma_start3A_34 = tpu.memref_slice %arg3[%add3A_26] : memref<524288xi32, #tpu.memory_space<hbm>> -> memref<4096xi32, #tpu.memory_space<hbm>>
      tpu.enqueue_dma source(%dma_start3A_34 : memref<4096xi32, #tpu.memory_space<hbm>>) target(%arg5 : memref<4096xi32, #tpu.memory_space<vmem>>) target_semaphore(%run_scoped3A : memref<!tpu.dma_semaphore, #tpu.memory_space<semaphore_mem>>)
      %dma_wait3A_35 = tpu.memref_slice %arg3[%add3A_26] : memref<524288xi32, #tpu.memory_space<hbm>> -> memref<4096xi32, #tpu.memory_space<hbm>>
      %dma_wait3A_36 = tpu.memref_slice %arg3[%add3A_26] : memref<524288xi32, #tpu.memory_space<hbm>> -> memref<4096xi32, #tpu.memory_space<hbm>>
      tpu.wait_dma2 semaphore(%run_scoped3A : memref<!tpu.dma_semaphore, #tpu.memory_space<semaphore_mem>>) src(%dma_wait3A_36 : memref<4096xi32, #tpu.memory_space<hbm>>) dst(%arg5 : memref<4096xi32, #tpu.memory_space<vmem>>)
      tpu.yield
    }) : () -> ()
    %dma_start3A_27 = arith.constant 0 : i32
    %dma_start3A_28 = arith.constant 0 : i32
    %dma_start3A_29 = tpu.memref_slice %arg2[%dma_start3A_27, %dma_start3A_28] : memref<1000000x16xf32, #tpu.memory_space<hbm>> -> memref<1000000x16xf32, #tpu.memory_space<hbm>>
    tpu.enqueue_indirect_dma source(%dma_start3A_29 : memref<1000000x16xf32, #tpu.memory_space<hbm>>) target(%arg6 : memref<4096x16xf32, #tpu.memory_space<vmem>>) offsets(%arg5 : memref<4096xi32, #tpu.memory_space<vmem>>) semaphore(%arg7 : memref<!tpu.dma_semaphore, #tpu.memory_space<semaphore_mem>>)
    %dma_wait3A_30 = arith.constant 0 : i32
    %dma_wait3A_31 = arith.constant 0 : i32
    %dma_wait3A_32 = tpu.memref_slice %arg2[%dma_wait3A_30, %dma_wait3A_31] : memref<1000000x16xf32, #tpu.memory_space<hbm>> -> memref<1000000x16xf32, #tpu.memory_space<hbm>>
    tpu.wait_indirect_dma semaphore(%arg7 : memref<!tpu.dma_semaphore, #tpu.memory_space<semaphore_mem>>) src(%dma_wait3A_32 : memref<1000000x16xf32, #tpu.memory_space<hbm>>) dst(%arg6 : memref<4096x16xf32, #tpu.memory_space<vmem>>)
    "tpu.region"() ({
      %run_scoped3A = tpu.sem_alloc : memref<!tpu.dma_semaphore, #tpu.memory_space<semaphore_mem>>
      %dma_start3A_33 = arith.constant 0 : i32
      %dma_start3A_34 = tpu.memref_slice %arg4[%add3A_26, %dma_start3A_33] : memref<524288x16xf32, #tpu.memory_space<hbm>> -> memref<4096x16xf32, #tpu.memory_space<hbm>>
      %dma_start3A_35 = arith.constant 0 : i32
      %dma_start3A_36 = tpu.memref_slice %arg4[%add3A_26, %dma_start3A_35] : memref<524288x16xf32, #tpu.memory_space<hbm>> -> memref<4096x16xf32, #tpu.memory_space<hbm>>
      tpu.enqueue_dma source(%arg6 : memref<4096x16xf32, #tpu.memory_space<vmem>>) target(%dma_start3A_36 : memref<4096x16xf32, #tpu.memory_space<hbm>>) target_semaphore(%run_scoped3A : memref<!tpu.dma_semaphore, #tpu.memory_space<semaphore_mem>>)
      %dma_wait3A_37 = arith.constant 0 : i32
      %dma_wait3A_38 = tpu.memref_slice %arg4[%add3A_26, %dma_wait3A_37] : memref<524288x16xf32, #tpu.memory_space<hbm>> -> memref<4096x16xf32, #tpu.memory_space<hbm>>
      %dma_wait3A_39 = arith.constant 0 : i32
      %dma_wait3A_40 = tpu.memref_slice %arg4[%add3A_26, %dma_wait3A_39] : memref<524288x16xf32, #tpu.memory_space<hbm>> -> memref<4096x16xf32, #tpu.memory_space<hbm>>
      tpu.wait_dma2 semaphore(%run_scoped3A : memref<!tpu.dma_semaphore, #tpu.memory_space<semaphore_mem>>) src(%arg6 : memref<4096x16xf32, #tpu.memory_space<vmem>>) dst(%dma_wait3A_40 : memref<4096x16xf32, #tpu.memory_space<hbm>>)
      tpu.yield
    }) : () -> ()
    return
  }
}

module attributes {stable_mosaic.version = 14 : i64} {
  func.func @_detile_body(%arg0: i32, %arg1: memref<16x4096xf32, #tpu.memory_space<vmem>>, %arg2: memref<16x16xf32, #tpu.memory_space<vmem>>, %arg3: memref<512x128xf32, #tpu.memory_space<vmem>>) attributes {dimension_semantics = [#tpu.dimension_semantics<arbitrary>], iteration_bounds = array<i64: 245>, scalar_prefetch = 0 : i64, scratch_operands = 0 : i64, tpu.core_type = #tpu.core_type<tc>, window_params = [{transform_indices = @transform_0, window_bounds = array<i64: 16, 4096>}, {pipeline_mode = #tpu.pipeline_mode<synchronous>, transform_indices = @transform_1, window_bounds = array<i64: 16, 16>}, {transform_indices = @transform_2, window_bounds = array<i64: 512, 128>}]} {
    %get3A = arith.constant 0 : index
    %get3A_0 = arith.constant 0 : index
    %get3A_1 = vector.load %arg1[%get3A, %get3A_0] : memref<16x4096xf32, #tpu.memory_space<vmem>>, vector<16x4096xf32>
    %get3A_2 = arith.constant 0 : index
    %get3A_3 = arith.constant 0 : index
    %get3A_4 = vector.load %arg2[%get3A_2, %get3A_3] : memref<16x16xf32, #tpu.memory_space<vmem>>, vector<16x16xf32>
    %dot_general3A = arith.constant dense<0.000000e+00> : vector<4096x16xf32>
    %dot_general3A_5 = tpu.matmul %get3A_1, %get3A_4, %dot_general3A {dimension_numbers = #tpu.dot_dimension_numbers<[0], [0], [1], [1], [0, 1, 1, 1], [], []>, transpose_lhs_hint = true} : vector<16x4096xf32>, vector<16x16xf32>, vector<4096x16xf32> -> vector<4096x16xf32>
    %reshape3A = vector.shape_cast %dot_general3A_5 : vector<4096x16xf32> to vector<512x8x16xf32>
    %slice3A = vector.extract_strided_slice %reshape3A {offsets = [0, 0, 0], sizes = [512, 1, 16], strides = [1, 1, 1]} : vector<512x8x16xf32> to vector<512x1x16xf32>
    %squeeze3A = vector.shape_cast %slice3A : vector<512x1x16xf32> to vector<512x16xf32>
    %slice3A_6 = vector.extract_strided_slice %reshape3A {offsets = [0, 1, 0], sizes = [512, 1, 16], strides = [1, 1, 1]} : vector<512x8x16xf32> to vector<512x1x16xf32>
    %squeeze3A_7 = vector.shape_cast %slice3A_6 : vector<512x1x16xf32> to vector<512x16xf32>
    %slice3A_8 = vector.extract_strided_slice %reshape3A {offsets = [0, 2, 0], sizes = [512, 1, 16], strides = [1, 1, 1]} : vector<512x8x16xf32> to vector<512x1x16xf32>
    %squeeze3A_9 = vector.shape_cast %slice3A_8 : vector<512x1x16xf32> to vector<512x16xf32>
    %slice3A_10 = vector.extract_strided_slice %reshape3A {offsets = [0, 3, 0], sizes = [512, 1, 16], strides = [1, 1, 1]} : vector<512x8x16xf32> to vector<512x1x16xf32>
    %squeeze3A_11 = vector.shape_cast %slice3A_10 : vector<512x1x16xf32> to vector<512x16xf32>
    %slice3A_12 = vector.extract_strided_slice %reshape3A {offsets = [0, 4, 0], sizes = [512, 1, 16], strides = [1, 1, 1]} : vector<512x8x16xf32> to vector<512x1x16xf32>
    %squeeze3A_13 = vector.shape_cast %slice3A_12 : vector<512x1x16xf32> to vector<512x16xf32>
    %slice3A_14 = vector.extract_strided_slice %reshape3A {offsets = [0, 5, 0], sizes = [512, 1, 16], strides = [1, 1, 1]} : vector<512x8x16xf32> to vector<512x1x16xf32>
    %squeeze3A_15 = vector.shape_cast %slice3A_14 : vector<512x1x16xf32> to vector<512x16xf32>
    %slice3A_16 = vector.extract_strided_slice %reshape3A {offsets = [0, 6, 0], sizes = [512, 1, 16], strides = [1, 1, 1]} : vector<512x8x16xf32> to vector<512x1x16xf32>
    %squeeze3A_17 = vector.shape_cast %slice3A_16 : vector<512x1x16xf32> to vector<512x16xf32>
    %slice3A_18 = vector.extract_strided_slice %reshape3A {offsets = [0, 7, 0], sizes = [512, 1, 16], strides = [1, 1, 1]} : vector<512x8x16xf32> to vector<512x1x16xf32>
    %squeeze3A_19 = vector.shape_cast %slice3A_18 : vector<512x1x16xf32> to vector<512x16xf32>
    %concatenate3A = tpu.concatenate %squeeze3A, %squeeze3A_7, %squeeze3A_9, %squeeze3A_11, %squeeze3A_13, %squeeze3A_15, %squeeze3A_17, %squeeze3A_19 in 1 : vector<512x16xf32>, vector<512x16xf32>, vector<512x16xf32>, vector<512x16xf32>, vector<512x16xf32>, vector<512x16xf32>, vector<512x16xf32>, vector<512x16xf32> -> vector<512x128xf32>
    %swap3A = arith.constant 0 : index
    %swap3A_20 = arith.constant 0 : index
    %swap3A_21 = vector.load %arg3[%swap3A, %swap3A_20] : memref<512x128xf32, #tpu.memory_space<vmem>>, vector<512x128xf32>
    tpu.vector_store %arg3[%swap3A, %swap3A_20], %concatenate3A {strides = array<i32>} : memref<512x128xf32, #tpu.memory_space<vmem>>, vector<512x128xf32>,
    return
  }
  func.func @transform_0(%arg0: i32) -> (i32, i32) {
    %c0_i32 = arith.constant 0 : i32
    %c0_i32_0 = arith.constant 0 : i32
    return %c0_i32, %arg0 : i32, i32
  }
  func.func @transform_1(%arg0: i32) -> (i32, i32) {
    %c0_i32 = arith.constant 0 : i32
    %c0_i32_0 = arith.constant 0 : i32
    %c0_i32_1 = arith.constant 0 : i32
    return %c0_i32, %c0_i32_0 : i32, i32
  }
  func.func @transform_2(%arg0: i32) -> (i32, i32) {
    %c0_i32 = arith.constant 0 : i32
    %c0_i32_0 = arith.constant 0 : i32
    return %arg0, %c0_i32 : i32, i32
  }
}

module attributes {stable_mosaic.version = 14 : i64} {
  func.func @_deepfm_body(%arg0: i32, %arg1: memref<4096x128xf32, #tpu.memory_space<vmem>>, %arg2: memref<1024x512xf32, #tpu.memory_space<vmem>>, %arg3: memref<128x1024xf32, #tpu.memory_space<vmem>>, %arg4: memref<1x1024xf32, #tpu.memory_space<vmem>>, %arg5: memref<1024x512xf32, #tpu.memory_space<vmem>>, %arg6: memref<1x512xf32, #tpu.memory_space<vmem>>, %arg7: memref<512x256xf32, #tpu.memory_space<vmem>>, %arg8: memref<1x256xf32, #tpu.memory_space<vmem>>, %arg9: memref<256x8xf32, #tpu.memory_space<vmem>>, %arg10: memref<1x8xf32, #tpu.memory_space<vmem>>, %arg11: memref<8x2xf32, #tpu.memory_space<vmem>>, %arg12: memref<512x16xf32, #tpu.memory_space<vmem>>, %arg13: memref<16x1xf32, #tpu.memory_space<vmem>>, %arg14: memref<1x1xf32, #tpu.memory_space<vmem>>, %arg15: memref<1024x1xf32, #tpu.memory_space<vmem>>) attributes {dimension_semantics = [#tpu.dimension_semantics<arbitrary>], iteration_bounds = array<i64: 16>, scalar_prefetch = 0 : i64, scratch_operands = 0 : i64, tpu.core_type = #tpu.core_type<tc>, window_params = [{transform_indices = @transform_0, window_bounds = array<i64: 4096, 128>}, {transform_indices = @transform_1, window_bounds = array<i64: 1024, 512>}, {pipeline_mode = #tpu.pipeline_mode<synchronous>, transform_indices = @transform_2, window_bounds = array<i64: 128, 1024>}, {pipeline_mode = #tpu.pipeline_mode<synchronous>, transform_indices = @transform_3, window_bounds = array<i64: 1, 1024>}, {pipeline_mode = #tpu.pipeline_mode<synchronous>, transform_indices = @transform_4, window_bounds = array<i64: 1024, 512>}, {pipeline_mode = #tpu.pipeline_mode<synchronous>, transform_indices = @transform_5, window_bounds = array<i64: 1, 512>}, {pipeline_mode = #tpu.pipeline_mode<synchronous>, transform_indices = @transform_6, window_bounds = array<i64: 512, 256>}, {pipeline_mode = #tpu.pipeline_mode<synchronous>, transform_indices = @transform_7, window_bounds = array<i64: 1, 256>}, {pipeline_mode = #tpu.pipeline_mode<synchronous>, transform_indices = @transform_8, window_bounds = array<i64: 256, 8>}, {pipeline_mode = #tpu.pipeline_mode<synchronous>, transform_indices = @transform_9, window_bounds = array<i64: 1, 8>}, {pipeline_mode = #tpu.pipeline_mode<synchronous>, transform_indices = @transform_10, window_bounds = array<i64: 8, 2>}, {pipeline_mode = #tpu.pipeline_mode<synchronous>, transform_indices = @transform_11, window_bounds = array<i64: 512, 16>}, {pipeline_mode = #tpu.pipeline_mode<synchronous>, transform_indices = @transform_12, window_bounds = array<i64: 16, 1>}, {pipeline_mode = #tpu.pipeline_mode<synchronous>, transform_indices = @transform_13, window_bounds = array<i64: 1, 1>}, {transform_indices = @transform_14, window_bounds = array<i64: 1024, 1>}]} {
    %get3A = arith.constant 0 : index
    %get3A_0 = arith.constant 0 : index
    %get3A_1 = vector.load %arg1[%get3A, %get3A_0] : memref<4096x128xf32, #tpu.memory_space<vmem>>, vector<4096x128xf32>
    %get3A_2 = arith.constant 0 : index
    %get3A_3 = arith.constant 0 : index
    %get3A_4 = vector.load %arg3[%get3A_2, %get3A_3] : memref<128x1024xf32, #tpu.memory_space<vmem>>, vector<128x1024xf32>
    %dot_general3A = arith.constant dense<0.000000e+00> : vector<4096x1024xf32>
    %dot_general3A_5 = tpu.matmul %get3A_1, %get3A_4, %dot_general3A {dimension_numbers = #tpu.dot_dimension_numbers<[1], [0], [0], [1], [0, 0, 1, 1], [], []>, transpose_lhs_hint = false} : vector<4096x128xf32>, vector<128x1024xf32>, vector<4096x1024xf32> -> vector<4096x1024xf32>
    %get3A_6 = arith.constant 0 : index
    %get3A_7 = arith.constant 0 : index
    %get3A_8 = vector.load %arg4[%get3A_6, %get3A_7] : memref<1x1024xf32, #tpu.memory_space<vmem>>, vector<1x1024xf32>
    %add3A = vector.broadcast %get3A_8 : vector<1x1024xf32> to vector<4096x1024xf32>
    %add3A_9 = arith.addf %dot_general3A_5, %add3A : vector<4096x1024xf32>
    %max3A = arith.constant 0.000000e+00 : f32
    %max3A_10 = vector.broadcast %max3A : f32 to vector<4096x1024xf32>
    %max3A_11 = arith.maximumf %add3A_9, %max3A_10 : vector<4096x1024xf32>
    %get3A_12 = arith.constant 0 : index
    %get3A_13 = arith.constant 0 : index
    %get3A_14 = vector.load %arg5[%get3A_12, %get3A_13] : memref<1024x512xf32, #tpu.memory_space<vmem>>, vector<1024x512xf32>
    %dot_general3A_15 = arith.constant dense<0.000000e+00> : vector<4096x512xf32>
    %dot_general3A_16 = tpu.matmul %max3A_11, %get3A_14, %dot_general3A_15 {dimension_numbers = #tpu.dot_dimension_numbers<[1], [0], [0], [1], [0, 0, 1, 1], [], []>, transpose_lhs_hint = false} : vector<4096x1024xf32>, vector<1024x512xf32>, vector<4096x512xf32> -> vector<4096x512xf32>
    %get3A_17 = arith.constant 0 : index
    %get3A_18 = arith.constant 0 : index
    %get3A_19 = vector.load %arg6[%get3A_17, %get3A_18] : memref<1x512xf32, #tpu.memory_space<vmem>>, vector<1x512xf32>
    %add3A_20 = vector.broadcast %get3A_19 : vector<1x512xf32> to vector<4096x512xf32>
    %add3A_21 = arith.addf %dot_general3A_16, %add3A_20 : vector<4096x512xf32>
    %max3A_22 = arith.constant 0.000000e+00 : f32
    %max3A_23 = vector.broadcast %max3A_22 : f32 to vector<4096x512xf32>
    %max3A_24 = arith.maximumf %add3A_21, %max3A_23 : vector<4096x512xf32>
    %get3A_25 = arith.constant 0 : index
    %get3A_26 = arith.constant 0 : index
    %get3A_27 = vector.load %arg7[%get3A_25, %get3A_26] : memref<512x256xf32, #tpu.memory_space<vmem>>, vector<512x256xf32>
    %dot_general3A_28 = arith.constant dense<0.000000e+00> : vector<4096x256xf32>
    %dot_general3A_29 = tpu.matmul %max3A_24, %get3A_27, %dot_general3A_28 {dimension_numbers = #tpu.dot_dimension_numbers<[1], [0], [0], [1], [0, 0, 1, 1], [], []>, transpose_lhs_hint = false} : vector<4096x512xf32>, vector<512x256xf32>, vector<4096x256xf32> -> vector<4096x256xf32>
    %get3A_30 = arith.constant 0 : index
    %get3A_31 = arith.constant 0 : index
    %get3A_32 = vector.load %arg8[%get3A_30, %get3A_31] : memref<1x256xf32, #tpu.memory_space<vmem>>, vector<1x256xf32>
    %add3A_33 = vector.broadcast %get3A_32 : vector<1x256xf32> to vector<4096x256xf32>
    %add3A_34 = arith.addf %dot_general3A_29, %add3A_33 : vector<4096x256xf32>
    %max3A_35 = arith.constant 0.000000e+00 : f32
    %max3A_36 = vector.broadcast %max3A_35 : f32 to vector<4096x256xf32>
    %max3A_37 = arith.maximumf %add3A_34, %max3A_36 : vector<4096x256xf32>
    %get3A_38 = arith.constant 0 : index
    %get3A_39 = arith.constant 0 : index
    %get3A_40 = vector.load %arg9[%get3A_38, %get3A_39] : memref<256x8xf32, #tpu.memory_space<vmem>>, vector<256x8xf32>
    %dot_general3A_41 = arith.constant dense<0.000000e+00> : vector<4096x8xf32>
    %dot_general3A_42 = tpu.matmul %max3A_37, %get3A_40, %dot_general3A_41 {dimension_numbers = #tpu.dot_dimension_numbers<[1], [0], [0], [1], [0, 0, 1, 1], [], []>, transpose_lhs_hint = false} : vector<4096x256xf32>, vector<256x8xf32>, vector<4096x8xf32> -> vector<4096x8xf32>
    %get3A_43 = arith.constant 0 : index
    %get3A_44 = arith.constant 0 : index
    %get3A_45 = vector.load %arg10[%get3A_43, %get3A_44] : memref<1x8xf32, #tpu.memory_space<vmem>>, vector<1x8xf32>
    %add3A_46 = vector.broadcast %get3A_45 : vector<1x8xf32> to vector<4096x8xf32>
    %add3A_47 = arith.addf %dot_general3A_42, %add3A_46 : vector<4096x8xf32>
    %get3A_48 = arith.constant 0 : index
    %get3A_49 = arith.constant 0 : index
    %get3A_50 = vector.load %arg11[%get3A_48, %get3A_49] : memref<8x2xf32, #tpu.memory_space<vmem>>, vector<8x1xf32>
    %dot_general3A_51 = arith.constant dense<0.000000e+00> : vector<4096x1xf32>
    %dot_general3A_52 = tpu.matmul %add3A_47, %get3A_50, %dot_general3A_51 {dimension_numbers = #tpu.dot_dimension_numbers<[1], [0], [0], [1], [0, 0, 1, 1], [], []>, transpose_lhs_hint = false} : vector<4096x8xf32>, vector<8x1xf32>, vector<4096x1xf32> -> vector<4096x1xf32>
    %get3A_53 = arith.constant 0 : index
    %get3A_54 = arith.constant 1 : index
    %get3A_55 = vector.load %arg11[%get3A_53, %get3A_54] : memref<8x2xf32, #tpu.memory_space<vmem>>, vector<8x1xf32>
    %dot_general3A_56 = arith.constant dense<0.000000e+00> : vector<4096x1xf32>
    %dot_general3A_57 = tpu.matmul %add3A_47, %get3A_55, %dot_general3A_56 {dimension_numbers = #tpu.dot_dimension_numbers<[1], [0], [0], [1], [0, 0, 1, 1], [], []>, transpose_lhs_hint = false} : vector<4096x8xf32>, vector<8x1xf32>, vector<4096x1xf32> -> vector<4096x1xf32>
    %iota3A = tpu.iota {dimensions = array<i32: 0>} : vector<4096x1xi32>
    %jit3A = arith.constant 4 : i32
    %eq3A = arith.constant 0 : i32
    %eq3A_58 = arith.cmpi eq, %jit3A, %eq3A : i32
    %jit3A_59 = arith.constant 1 : i32
    %select_n3A = arith.select %eq3A_58, %jit3A_59, %jit3A : i32
    %rem3A = vector.broadcast %select_n3A : i32 to vector<4096x1xi32>
    %rem3A_60 = arith.remsi %iota3A, %rem3A : vector<4096x1xi32>
    %ne3A = arith.constant 0 : i32
    %ne3A_61 = vector.broadcast %ne3A : i32 to vector<4096x1xi32>
    %ne3A_62 = arith.cmpi ne, %rem3A_60, %ne3A_61 : vector<4096x1xi32>
    %lt3A = arith.constant 0 : i32
    %lt3A_63 = vector.broadcast %lt3A : i32 to vector<4096x1xi32>
    %lt3A_64 = arith.cmpi slt, %rem3A_60, %lt3A_63 : vector<4096x1xi32>
    %lt3A_65 = arith.constant 0 : i32
    %lt3A_66 = arith.cmpi slt, %select_n3A, %lt3A_65 : i32
    %ne3A_67 = vector.broadcast %lt3A_66 : i1 to vector<4096x1xi1>
    %ne3A_68 = vector.broadcast %ne3A_67 : vector<4096x1xi1> to vector<4096x1xi1>
    %ne3A_69 = arith.xori %lt3A_64, %ne3A_68 : vector<4096x1xi1>
    %and3A = arith.andi %ne3A_69, %ne3A_62 : vector<4096x1xi1>
    %add3A_70 = vector.broadcast %select_n3A : i32 to vector<4096x1xi32>
    %add3A_71 = arith.addi %rem3A_60, %add3A_70 : vector<4096x1xi32>
    %select_n3A_72 = arith.select %and3A, %add3A_71, %rem3A_60 : vector<4096x1xi1>, vector<4096x1xi32>
    %eq3A_73 = arith.constant 3 : i32
    %eq3A_74 = vector.broadcast %eq3A_73 : i32 to vector<4096x1xi32>
    %eq3A_75 = arith.cmpi eq, %select_n3A_72, %eq3A_74 : vector<4096x1xi32>
    %select_n3A_76 = arith.select %eq3A_75, %dot_general3A_57, %dot_general3A_52 : vector<4096x1xi1>, vector<4096x1xf32>
    %reshape3A = vector.shape_cast %select_n3A_76 : vector<4096x1xf32> to vector<1024x4x1xf32>
    %reduce_sum3A = arith.constant dense<0.000000e+00> : vector<1024x1xf32>
    %reduce_sum3A_77 = vector.multi_reduction <add>, %reshape3A, %reduce_sum3A [1] : vector<1024x4x1xf32> to vector<1024x1xf32>
    %get3A_78 = arith.constant 0 : index
    %get3A_79 = arith.constant 0 : index
    %get3A_80 = vector.load %arg2[%get3A_78, %get3A_79] : memref<1024x512xf32, #tpu.memory_space<vmem>>, vector<1024x512xf32>
    %get3A_81 = arith.constant 0 : index
    %get3A_82 = arith.constant 0 : index
    %get3A_83 = vector.load %arg12[%get3A_81, %get3A_82] : memref<512x16xf32, #tpu.memory_space<vmem>>, vector<512x16xf32>
    %dot_general3A_84 = arith.constant dense<0.000000e+00> : vector<1024x16xf32>
    %dot_general3A_85 = tpu.matmul %get3A_80, %get3A_83, %dot_general3A_84 {dimension_numbers = #tpu.dot_dimension_numbers<[1], [0], [0], [1], [0, 0, 1, 1], [], []>, transpose_lhs_hint = false} : vector<1024x512xf32>, vector<512x16xf32>, vector<1024x16xf32> -> vector<1024x16xf32>
    %mul3A = arith.mulf %get3A_80, %get3A_80 : vector<1024x512xf32>
    %dot_general3A_86 = arith.constant dense<0.000000e+00> : vector<1024x16xf32>
    %dot_general3A_87 = tpu.matmul %mul3A, %get3A_83, %dot_general3A_86 {dimension_numbers = #tpu.dot_dimension_numbers<[1], [0], [0], [1], [0, 0, 1, 1], [], []>, transpose_lhs_hint = false} : vector<1024x512xf32>, vector<512x16xf32>, vector<1024x16xf32> -> vector<1024x16xf32>
    %mul3A_88 = arith.mulf %dot_general3A_85, %dot_general3A_85 : vector<1024x16xf32>
    %sub3A = arith.subf %mul3A_88, %dot_general3A_87 : vector<1024x16xf32>
    %mul3A_89 = arith.constant 5.000000e-01 : f32
    %mul3A_90 = vector.broadcast %mul3A_89 : f32 to vector<1024x16xf32>
    %mul3A_91 = arith.mulf %mul3A_90, %sub3A : vector<1024x16xf32>
    %add3A_92 = vector.broadcast %reduce_sum3A_77 : vector<1024x1xf32> to vector<1024x16xf32>
    %add3A_93 = arith.addf %mul3A_91, %add3A_92 : vector<1024x16xf32>
    %get3A_94 = arith.constant 0 : index
    %get3A_95 = arith.constant 0 : index
    %get3A_96 = vector.load %arg13[%get3A_94, %get3A_95] : memref<16x1xf32, #tpu.memory_space<vmem>>, vector<16x1xf32>
    %dot_general3A_97 = arith.constant dense<0.000000e+00> : vector<1024x1xf32>
    %dot_general3A_98 = tpu.matmul %add3A_93, %get3A_96, %dot_general3A_97 {dimension_numbers = #tpu.dot_dimension_numbers<[1], [0], [0], [1], [0, 0, 1, 1], [], []>, transpose_lhs_hint = false} : vector<1024x16xf32>, vector<16x1xf32>, vector<1024x1xf32> -> vector<1024x1xf32>
    %get3A_99 = arith.constant 0 : index
    %get3A_100 = arith.constant 0 : index
    %get3A_101 = vector.load %arg14[%get3A_99, %get3A_100] : memref<1x1xf32, #tpu.memory_space<vmem>>, vector<1x1xf32>
    %add3A_102 = vector.broadcast %get3A_101 : vector<1x1xf32> to vector<1024x1xf32>
    %add3A_103 = arith.addf %dot_general3A_98, %add3A_102 : vector<1024x1xf32>
    %neg3A = arith.constant 0.000000e+00 : f32
    %neg3A_104 = vector.broadcast %neg3A : f32 to vector<1024x1xf32>
    %neg3A_105 = arith.subf %neg3A_104, %add3A_103 : vector<1024x1xf32>
    %exp3A = math.exp %neg3A_105 : vector<1024x1xf32>
    %add3A_106 = arith.constant 1.000000e+00 : f32
    %add3A_107 = vector.broadcast %add3A_106 : f32 to vector<1024x1xf32>
    %add3A_108 = arith.addf %add3A_107, %exp3A : vector<1024x1xf32>
    %div3A = arith.constant 1.000000e+00 : f32
    %div3A_109 = vector.broadcast %div3A : f32 to vector<1024x1xf32>
    %div3A_110 = arith.divf %div3A_109, %add3A_108 : vector<1024x1xf32>
    %swap3A = arith.constant 0 : index
    %swap3A_111 = arith.constant 0 : index
    %swap3A_112 = vector.load %arg15[%swap3A, %swap3A_111] : memref<1024x1xf32, #tpu.memory_space<vmem>>, vector<1024x1xf32>
    tpu.vector_store %arg15[%swap3A, %swap3A_111], %div3A_110 {strides = array<i32>} : memref<1024x1xf32, #tpu.memory_space<vmem>>, vector<1024x1xf32>,
    return
  }
  func.func @transform_0(%arg0: i32) -> (i32, i32) {
    %c0_i32 = arith.constant 0 : i32
    %c0_i32_0 = arith.constant 0 : i32
    return %arg0, %c0_i32 : i32, i32
  }
  func.func @transform_1(%arg0: i32) -> (i32, i32) {
    %c0_i32 = arith.constant 0 : i32
    %c0_i32_0 = arith.constant 0 : i32
    return %arg0, %c0_i32 : i32, i32
  }
  func.func @transform_2(%arg0: i32) -> (i32, i32) {
    %c0_i32 = arith.constant 0 : i32
    %c0_i32_0 = arith.constant 0 : i32
    %c0_i32_1 = arith.constant 0 : i32
    return %c0_i32, %c0_i32_0 : i32, i32
  }
  func.func @transform_3(%arg0: i32) -> (i32, i32) {
    %c0_i32 = arith.constant 0 : i32
    %c0_i32_0 = arith.constant 0 : i32
    %c0_i32_1 = arith.constant 0 : i32
    return %c0_i32, %c0_i32_0 : i32, i32
  }
  func.func @transform_4(%arg0: i32) -> (i32, i32) {
    %c0_i32 = arith.constant 0 : i32
    %c0_i32_0 = arith.constant 0 : i32
    %c0_i32_1 = arith.constant 0 : i32
    return %c0_i32, %c0_i32_0 : i32, i32
  }
  func.func @transform_5(%arg0: i32) -> (i32, i32) {
    %c0_i32 = arith.constant 0 : i32
    %c0_i32_0 = arith.constant 0 : i32
    %c0_i32_1 = arith.constant 0 : i32
    return %c0_i32, %c0_i32_0 : i32, i32
  }
  func.func @transform_6(%arg0: i32) -> (i32, i32) {
    %c0_i32 = arith.constant 0 : i32
    %c0_i32_0 = arith.constant 0 : i32
    %c0_i32_1 = arith.constant 0 : i32
    return %c0_i32, %c0_i32_0 : i32, i32
  }
  func.func @transform_7(%arg0: i32) -> (i32, i32) {
    %c0_i32 = arith.constant 0 : i32
    %c0_i32_0 = arith.constant 0 : i32
    %c0_i32_1 = arith.constant 0 : i32
    return %c0_i32, %c0_i32_0 : i32, i32
  }
  func.func @transform_8(%arg0: i32) -> (i32, i32) {
    %c0_i32 = arith.constant 0 : i32
    %c0_i32_0 = arith.constant 0 : i32
    %c0_i32_1 = arith.constant 0 : i32
    return %c0_i32, %c0_i32_0 : i32, i32
  }
  func.func @transform_9(%arg0: i32) -> (i32, i32) {
    %c0_i32 = arith.constant 0 : i32
    %c0_i32_0 = arith.constant 0 : i32
    %c0_i32_1 = arith.constant 0 : i32
    return %c0_i32, %c0_i32_0 : i32, i32
  }
  func.func @transform_10(%arg0: i32) -> (i32, i32) {
    %c0_i32 = arith.constant 0 : i32
    %c0_i32_0 = arith.constant 0 : i32
    %c0_i32_1 = arith.constant 0 : i32
    return %c0_i32, %c0_i32_0 : i32, i32
  }
  func.func @transform_11(%arg0: i32) -> (i32, i32) {
    %c0_i32 = arith.constant 0 : i32
    %c0_i32_0 = arith.constant 0 : i32
    %c0_i32_1 = arith.constant 0 : i32
    return %c0_i32, %c0_i32_0 : i32, i32
  }
  func.func @transform_12(%arg0: i32) -> (i32, i32) {
    %c0_i32 = arith.constant 0 : i32
    %c0_i32_0 = arith.constant 0 : i32
    %c0_i32_1 = arith.constant 0 : i32
    return %c0_i32, %c0_i32_0 : i32, i32
  }
  func.func @transform_13(%arg0: i32) -> (i32, i32) {
    %c0_i32 = arith.constant 0 : i32
    %c0_i32_0 = arith.constant 0 : i32
    %c0_i32_1 = arith.constant 0 : i32
    return %c0_i32, %c0_i32_0 : i32, i32
  }
  func.func @transform_14(%arg0: i32) -> (i32, i32) {
    %c0_i32 = arith.constant 0 : i32
    %c0_i32_0 = arith.constant 0 : i32
    return %arg0, %c0_i32 : i32, i32
  }
}

</mosaic_0001>

<sc_bundles>
// kernel: kernel.5.cloned.1.call-start
scs
__scs_entry_jumppad:
0x0: {  	(pc) =	sbr.rel $0x88, $3  }
0x1: {  	(tag) =	ssettag $0x0;
	lr =	simm.s32 $0x1  }
0x2: {  	[smem:$0x3F95] =	sst lr;
	_ =	strace $0xD0000000  }
0x3: {  	_ = 	snop  }
0x4: {  	_ = 	snop  }
0x5: {  	_ = 	snop  }
0x6: {  	_ = 	snop  }
0x7: {  	_ = 	snop  }
__scs_overlays_trampoline_lowered:
0x8: {  	[smem:$0x3FA4] =	sst s0  }
0x9: {  	[smem:$0x3FA5] =	sst s1  }
0xa: {  	[smem:$0x3FA6] =	sst s2  }
0xb: {  	[smem:$0x3FA7] =	sst s3  }
0xc: {  	[smem:$0x3FA8] =	sst s4  }
0xd: {  	[smem:$0x3FA9] =	sst s5  }
0xe: {  	[smem:$0x3FAA] =	sst s6  }
0xf: {  	[smem:$0x3FAB] =	sst s7  }
0x10: {  	[smem:$0x3FAC] =	sst s8  }
0x11: {  	[smem:$0x3FAD] =	sst s9;
	s0 =	simm.s32 @!p0 $0x0  }
0x12: {  	s1 =	sld [smem:$0x3F93];
	s0 =	simm.s32 @p0 $0x1  }
0x13: {  	[smem:$0x3FAE] =	sst s0;
	s0 =	simm.s32 @!p1 $0x0  }
0x14: {  	s2 =	sld [smem:$0x3F92];
	s0 =	simm.s32 @p1 $0x1  }
0x15: {  	[smem:$0x3FAF] =	sst s0;
	s0 =	simm.s32 @!p2 $0x0  }
0x16: {  	s3 =	sld [smem:$0x3FDB];
	s0 =	simm.s32 @p2 $0x1  }
0x17: {  	s4 =	simm.s32 $0x1BF5;
	[smem:$0x3FB1] =	sst s0  }
0x18: {  	s0 =	sld [smem:$0x3F94];
	_ =	swait.ge [sflag:s4], $0x0  }
0x19: {  	s7 =	sld [smem:$0x3F95]  }
0x1a: {  	s8 =	sadd.s32 $0xFFFFE003, lr  }
0x1b: {  	s9 =	sadd.s32 $0xFFFFFEF7, lr;
	s5 =	simm.s32 $0xFFFFFFFF;
	p2 =	slt.u32 s8, $0xFFFFF086  }
0x1c: {  	p1 =	slt.u32 s9, $0xF7A;
	s5 =	simm.s32 @!p2 $0x0  }
0x1d: {  	s5 =	simm.s32 @p1 $0x1;
	p0 =	seq.s32 s7, s2  }
0x1e: {  	s7 =	smul.u32 @!p0 $0xF7A, s2;
	p2 =	seq.s32 @!p0 s5, $0x0  }
0x1f: {  	s9 =	smul.u32 $0xF7A, s1;
	s8 =	simm.s32 @!p0 $0x1BF5;
	p2 =	por !p2, p0  }
0x20: {  	[sflag:s8] =	ssyncset.s32 @!p0 $0xFFFFF086;
	s6 =	sadd.s32 @!p0 s3, s7;
	s7 =	simm.s32 @!p0 $0x108  }
0x21: {  	s3 =	sadd.s32 s3, s9;
	s6 =	sadd.s32 @!p0 $0x88, s6;
	s7 =	simm.s32 @p2 $0x1082  }
0x22: {  	[simem:s7], [sflag:s8] =	dma.local @!p0 [hbm:s6], $0xF7A  }
0x23: {  	s9 =	sor.u32 $0xD0000000, s2;
	s6 =	simm.s32 $0x108;
	_ =	swait.ge @!p0 [sflag:s8], $0x0  }
0x24: {  	s3 =	sadd.s32 $0x88, s3;
	s6 =	simm.s32 @!p1 $0x1082;
	[sflag:s4] =	ssyncset.s32 $0xFFFFF086  }
0x25: {  	[simem:s6], [sflag:s4] =	dma.local [hbm:s3], $0xF7A  }
0x26: {  	[smem:$0x3F95] =	sst s1;
	(tag) =	ssettag s2;
	_ =	strace s9  }
0x27: {  	s1 =	sld [smem:$0x3FA5]  }
0x28: {  	s2 =	sld [smem:$0x3FA6]  }
0x29: {  	s4 =	sld [smem:$0x3FA8]  }
0x2a: {  	p0 =	seq.s32 s5, $0x0;
	s5 =	sld [smem:$0x3FA9]  }
0x2b: {  	s6 =	sld [smem:$0x3FAA]  }
0x2c: {  	s7 =	sld [smem:$0x3FAB]  }
0x2d: {  	s3 =	simm.s32 $0x108;
	s8 =	sld [smem:$0x3FAC]  }
0x2e: {  	s3 =	simm.s32 @!p0 $0x1082;
	s9 =	sld [smem:$0x3FAD]  }
0x2f: {  	lr =	sadd.s32 s0, s3;
	s0 =	sld [smem:$0x3FA4]  }
0x30: {  	s3 =	sld [smem:$0x3FA7]  }
0x31: {  	[smem:$0x3FB0] =	sst s10  }
0x32: {  	s10 =	sld [smem:$0x3FAE];
	_ =	sdelay $0x3  }
0x33: {  	p0 =	seq.s32 s10, $0x1;
	s10 =	sld [smem:$0x3FB0];
	_ =	sdelay $0x3  }
0x34: {  	[smem:$0x3FB0] =	sst s10  }
0x35: {  	s10 =	sld [smem:$0x3FAF];
	_ =	sdelay $0x3  }
0x36: {  	p1 =	seq.s32 s10, $0x1;
	s10 =	sld [smem:$0x3FB0];
	_ =	sdelay $0x3  }
0x37: {  	[smem:$0x3FB0] =	sst s10  }
0x38: {  	s10 =	sld [smem:$0x3FB1]  }
0x39: {  	_ = 	snop;
	(pc) =	sbr.ind lr, $3  }
0x3a: {  	_ = 	snop  }
0x3b: {  	_ = 	snop  }
0x3c: {  	p2 =	seq.s32 s10, $0x1;
	s10 =	sld [smem:$0x3FB0]  }
0x3d: {  	_ =	shalt  }
0x3e: {  	_ =	shalt  }
0x3f: {  	_ =	shalt  }
0x40: {  	_ =	shalt  }
0x41: {  	_ =	shalt  }
0x42: {  	_ =	shalt  }
0x43: {  	_ =	shalt  }
0x44: {  	_ =	shalt  }
0x45: {  	_ =	shalt  }
0x46: {  	_ =	shalt  }
0x47: {  	_ =	shalt  }
0x48: {  	_ =	shalt  }
0x49: {  	_ =	shalt  }
0x4a: {  	_ =	shalt  }
0x4b: {  	_ =	shalt  }
0x4c: {  	_ =	shalt  }
0x4d: {  	_ =	shalt  }
0x4e: {  	_ =	shalt  }
0x4f: {  	_ =	shalt  }
0x50: {  	_ =	shalt  }
0x51: {  	_ =	shalt  }
0x52: {  	_ =	shalt  }
0x53: {  	_ =	shalt  }
0x54: {  	_ =	shalt  }
0x55: {  	_ =	shalt  }
0x56: {  	_ =	shalt  }
0x57: {  	_ =	shalt  }
0x58: {  	_ =	shalt  }
0x59: {  	_ =	shalt  }
0x5a: {  	_ =	shalt  }
0x5b: {  	_ =	shalt  }
0x5c: {  	_ =	shalt  }
0x5d: {  	_ =	shalt  }
0x5e: {  	_ =	shalt  }
0x5f: {  	_ =	shalt  }
0x60: {  	_ =	shalt  }
0x61: {  	_ =	shalt  }
0x62: {  	_ =	shalt  }
0x63: {  	_ =	shalt  }
0x64: {  	_ =	shalt  }
0x65: {  	_ =	shalt  }
0x66: {  	_ =	shalt  }
0x67: {  	_ =	shalt  }
0x68: {  	_ =	shalt  }
0x69: {  	_ =	shalt  }
0x6a: {  	_ =	shalt  }
0x6b: {  	_ =	shalt  }
0x6c: {  	_ =	shalt  }
0x6d: {  	_ =	shalt  }
0x6e: {  	_ =	shalt  }
0x6f: {  	_ =	shalt  }
0x70: {  	_ =	shalt  }
0x71: {  	_ =	shalt  }
0x72: {  	_ =	shalt  }
0x73: {  	_ =	shalt  }
0x74: {  	_ =	shalt  }
0x75: {  	_ =	shalt  }
0x76: {  	_ =	shalt  }
0x77: {  	_ =	shalt  }
0x78: {  	_ =	shalt  }
0x79: {  	_ =	shalt  }
0x7a: {  	_ =	shalt  }
0x7b: {  	_ =	shalt  }
0x7c: {  	_ =	shalt  }
0x7d: {  	_ =	shalt  }
0x7e: {  	_ =	shalt  }
0x7f: {  	_ =	shalt  }
0x80: {  	_ =	shalt  }
0x81: {  	_ =	shalt  }
0x82: {  	_ =	shalt  }
0x83: {  	_ =	shalt  }
0x84: {  	_ =	shalt  }
0x85: {  	_ =	shalt  }
0x86: {  	_ =	shalt  }
0x87: {  	_ =	shalt  }
.Lfunc_end0:
.L_simem_size_0:
called_computation_lowered:
.L_overlay_start_0:
0x88: {  	s2 =	sld [smem:$0x3FD9]  }
0x89: {  	s3 =	sld [smem:$0x3FFE];
	_ =	sdelay $0x1  }
0x8a: {  	s1 =	srdreg.scid  }
0x8b: {  	s0 =	sand.u32 $0x1, s1  }
0x8c: {  	s16 =	sshll.u32 s0, $0xA;
	s2 =	sadd.s32 s3, s2  }
0x8d: {  	s2 =	sadd.s32 s2, s16  }
0x8e: {  	[smem:$0x3FBC] =	sst s2  }
0x8f: {  	_ = 	snop  }
0x90: {  	(tm) =	ssettm $0x1  }
0x91: {  	s17 =	sld [smem:$0x3FFB];
	_ =	sdelay $0x3  }
0x92: {  	_ =	strace s17  }
0x93: {  	s2 =	sld [smem:$0x3FFC];
	_ =	sdelay $0x3  }
0x94: {  	_ =	strace s2  }
0x95: {  	s2 =	sld [smem:$0x3FFD];
	_ =	sdelay $0x3  }
0x96: {  	_ =	strace s2  }
0x97: {  	_ =	strace $0x8FFFFFFF  }
0x98: {  	s18 =	sld [smem:$0x3FDB];
	_ =	sdelay $0x1  }
0x99: {  	s19 =	simm.s32 $_scs_section_size  }
0x9a: {  	s4 =	simm.s32 $_size__tile_overlayer_lowered;
	s5 =	simm.s32 $_tile_overlayer_lowered  }
0x9b: {  	s22 =	simm.s32 $0x1BFF;
	s21 =	sshll.u32 s5, $0x1;
	s2 =	sadd.s32 s19, s18  }
0x9c: {  	s6 =	simm.s32 $0x0;
	s20 =	sshll.u32 s4, $0x1;
	s4 =	sadd.s32 s21, s2  }
0x9d: {  	[timem:s6], [sflag:s22] =	dma.local [hbm:s4], s20  }
0x9e: {  	_ =	swait.ge [sflag:s22], s20  }
0x9f: {  	s3 =	ssub.s32 $0x0, s20;
	[sflag:s22] =	ssyncset.done $0x0  }
0xa0: {  	[sflag:s22] =	ssyncadd.s32 s3;
	_ =	sdelay $0x1  }
0xa1: {  	s23 =	simm.s32 $0x1B8B  }
0xa2: {  	_ =	swait.ge [sflag:s23], $0x1  }
0xa3: {  	[sflag:s23] =	ssyncset.done $0x0  }
0xa4: {  	s25 =	simm.s32 $0x1B8E;
	s24 =	sld [smem:$0x3FFE];
	[sflag:s23] =	ssyncadd.s32 $0xFFFFFFFF  }
0xa5: {  	s26 =	simm.s32 $execute0_lowered;
	[smem:$0x3FD2] =	sst s25  }
0xa6: {  	s4 =	sshll.u32 s26, $0x1;
	_ =	strace $0x80000046;
	[dreg:$0x1] =	wrdreg $0xFFFFFFFF  }
0xa7: {  	s28 =	simm.s32 $_size_execute0_lowered;
	s2 =	sadd.s32 s2, s4;
	[dreg:$0x0] =	wrdreg $0x0  }
0xa8: {  	s4 =	sshll.u32 s28, $0x1;
	[dreg:$0x2] =	wrdreg s2  }
0xa9: {  	[dreg:$0x3] =	wrdreg s4  }
0xaa: {  	[dreg:$0x4] =	wrdreg $0xC0  }
0xab: {  	_ =	task [dreg:s6], $0x5FFFF  }
0xac: {  	[dreg:$0x1] =	wrdreg $0xFFFFFFFF  }
0xad: {  	[dreg:$0x0] =	wrdreg $0x60  }
0xae: {  	[dreg:$0x2] =	wrdreg s24  }
0xaf: {  	[dreg:$0x3] =	wrdreg $0x9  }
0xb0: {  	_ =	task.clear_ibuf [dreg:s6], $0x4FFFF;
	_ =	strace $0x90000046  }
0xb1: {  	s29 =	simm.s32 $0x9;
	_ =	strace $0x80000048  }
0xb2: {  	_ =	swait.ge [sflag:s29], $0x1  }
0xb3: {  	[sflag:s29] =	ssyncadd.s32 $0xFFFFFFFF  }
0xb4: {  	_ =	strace $0x90000048  }
0xb5: {  	_ =	sfence  }
0xb6: {  	s30 =	sld [smem:$0x0];
	_ =	sdelay $0x2  }
0xb7: {  	s31 =	sshll.u32 s1, $0xD;
	s1 =	sshrl.u32 s1, $0x2  }
0xb8: {  	s3 =	sand.u32 $0x4000, s31;
	s1 =	sadd.s32 s1, s30  }
0xb9: {  	s0 =	sor.u32 s3, s0;
	s1 =	sshll.u32 s1, $0x11  }
0xba: {  	s0 =	sor.u32 s1, s0  }
0xbb: {  	s0 =	sadd.s32 $0x8F2B, s0  }
0xbc: {  	[sflag:s0] =	ssyncadd.remote.s32 $0x1  }
0xbd: {  	_ =	sfence.sel $0xFFFF  }
0xbe: {  	[dreg:$0x0] =	wrdreg $0xFFFFFFFF;
	(pc) =	sbr.abs _section_cstart, $3  }
0xbf: {  	[dreg:$0x1] =	wrdreg $0xFFFFFFFF  }
0xc0: {  	_ =	task.clear_ibuf [dreg:s6], $0x2FFFF;
	_ =	strace $0x9FFFFFFF  }
0xc1: {  	(tm) =	ssettm $0x7FFFFFFF  }
tec
execute0_lowered:
.L_overlay_start_1:
0x0: {  	(tag) =	ssettag $0x1  }
0x1: {  	s1 =	srdreg.scid  }
0x2: {  	s0 =	stileid.u32;
	s14 =	sand.u32 $0x1, s1  }
0x3: {  	s8 =	rddreg [dreg:$0x0];
	s3 =	sshll.u32 s0, $0xF;
	s4 =	sshll.u32 s14, $0xE  }
0x4: {  	s2 =	simm.s32 $0x0;
	s1 =	rddreg [dreg:$0x1];
	s13 =	sor.u32 s4, s3  }
0x5: {  	[smem:$0x7FF] =	sst s2;
	s15 =	sadd.s32 $0x1400, s8;
	s3 =	sshrl.u32 s13, $0x3  }
0x6: {  	_ =	strace $0x80000047;
	s4 =	sadd.s32 s15, s3;
	s3 =	simm.s32 $0x2  }
0x7: {  	[tilespmem:s2], [sflag:$0x2] =	stream.linear.gather [hbm4b:s4+s2], $0x1000, $0x38;
	[tilespmem:$0x11000] =	vst v63  }
0x8: {  	_ =	swait.ge [sflag:s3], $0x1000  }
0x9: {  	s6 =	simm.s32 $0x1000;
	[sflag:s3] =	ssyncset.done $0x0  }
0xa: {  	s7 =	simm.s32 $0x1;
	s5 =	sadd.s32 $0x11400, s8;
	[sflag:s3] =	ssyncadd.s32 $0xFFFFF000  }
0xb: {  	[tilespmem:s6], [sflag:$0x1] =	stream.indirect.gather [hbm4b:s5+s6], $0x10, s2, s6, $0xb8;
	[tilespmem:$0x11000] =	vst v63  }
0xc: {  	_ =	swait.ge [sflag:s7], $0x10000  }
0xd: {  	s16 =	sadd.s32 $0x1F9A00, s8;
	s29 =	sshll.u32 s13, $0x1;
	[sflag:s7] =	ssyncset.done $0x0  }
0xe: {  	s8 =	sadd.s32 s16, s29;
	[sflag:s7] =	ssyncadd.s32 $0xFFFF0000  }
0xf: {  	[hbm4b:s8+s2] =	stream.linear.scatter [tilespmem:s6], [sflag:$0x2], $0x10000, $0x38;
	[tilespmem:$0x11000] =	vst v63  }
0x10: {  	s10 =	sor.u32 $0x1000, s13;
	_ =	swait.ge [sflag:s3], $0x10000  }
0x11: {  	s9 =	sshrl.u32 s10, $0x3;
	[sflag:s3] =	ssyncset.done $0x0  }
0x12: {  	s9 =	sadd.s32 s15, s9;
	[sflag:s3] =	ssyncadd.s32 $0xFFFF0000  }
0x13: {  	[tilespmem:s2], [sflag:$0x2] =	stream.linear.gather [hbm4b:s9+s2], $0x1000, $0x38;
	[tilespmem:$0x11000] =	vst v63  }
0x14: {  	_ =	swait.ge [sflag:s3], $0x1000  }
0x15: {  	[sflag:s3] =	ssyncset.done $0x0  }
0x16: {  	[sflag:s3] =	ssyncadd.s32 $0xFFFFF000  }
0x17: {  	[tilespmem:s6], [sflag:$0x1] =	stream.indirect.gather [hbm4b:s5+s6], $0x10, s2, s6, $0xb8;
	[tilespmem:$0x11000] =	vst v63  }
0x18: {  	_ =	swait.ge [sflag:s7], $0x10000  }
0x19: {  	s10 =	sshll.u32 s10, $0x1;
	[sflag:s7] =	ssyncset.done $0x0  }
0x1a: {  	s10 =	sadd.s32 s16, s10;
	[sflag:s7] =	ssyncadd.s32 $0xFFFF0000  }
0x1b: {  	[hbm4b:s10+s2] =	stream.linear.scatter [tilespmem:s6], [sflag:$0x2], $0x10000, $0x38;
	[tilespmem:$0x11000] =	vst v63  }
0x1c: {  	s12 =	sor.u32 $0x2000, s13;
	_ =	swait.ge [sflag:s3], $0x10000  }
0x1d: {  	s11 =	sshrl.u32 s12, $0x3;
	[sflag:s3] =	ssyncset.done $0x0  }
0x1e: {  	s11 =	sadd.s32 s15, s11;
	[sflag:s3] =	ssyncadd.s32 $0xFFFF0000  }
0x1f: {  	[tilespmem:s2], [sflag:$0x2] =	stream.linear.gather [hbm4b:s11+s2], $0x1000, $0x38;
	[tilespmem:$0x11000] =	vst v63  }
0x20: {  	_ =	swait.ge [sflag:s3], $0x1000  }
0x21: {  	[sflag:s3] =	ssyncset.done $0x0  }
0x22: {  	[sflag:s3] =	ssyncadd.s32 $0xFFFFF000  }
0x23: {  	[tilespmem:s6], [sflag:$0x1] =	stream.indirect.gather [hbm4b:s5+s6], $0x10, s2, s6, $0xb8;
	[tilespmem:$0x11000] =	vst v63  }
0x24: {  	_ =	swait.ge [sflag:s7], $0x10000  }
0x25: {  	s12 =	sshll.u32 s12, $0x1;
	[sflag:s7] =	ssyncset.done $0x0  }
0x26: {  	s12 =	sadd.s32 s16, s12;
	[sflag:s7] =	ssyncadd.s32 $0xFFFF0000  }
0x27: {  	[hbm4b:s12+s2] =	stream.linear.scatter [tilespmem:s6], [sflag:$0x2], $0x10000, $0x38;
	[tilespmem:$0x11000] =	vst v63  }
0x28: {  	s17 =	sor.u32 $0x3000, s13;
	_ =	swait.ge [sflag:s3], $0x10000  }
0x29: {  	s13 =	sshrl.u32 s17, $0x3;
	[sflag:s3] =	ssyncset.done $0x0  }
0x2a: {  	s14 =	ssub.s32 $0x2, s14;
	s13 =	sadd.s32 s15, s13;
	[sflag:s3] =	ssyncadd.s32 $0xFFFF0000  }
0x2b: {  	[tilespmem:s2], [sflag:$0x2] =	stream.linear.gather [hbm4b:s13+s2], $0x1000, $0x38;
	[tilespmem:$0x11000] =	vst v63  }
0x2c: {  	s30 =	sshrl.u32 s14, $0x1;
	_ =	swait.ge [sflag:s3], $0x1000  }
0x2d: {  	s15 =	ssub.s32 s14, s30;
	[sflag:s3] =	ssyncset.done $0x0  }
0x2e: {  	s15 =	smax.u32 s15, $0x1;
	[sflag:s3] =	ssyncadd.s32 $0xFFFFF000  }
0x2f: {  	[tilespmem:s6], [sflag:$0x1] =	stream.indirect.gather [hbm4b:s5+s6], $0x10, s2, s6, $0xb8;
	[tilespmem:$0x11000] =	vst v63  }
0x30: {  	p0 =	sne.s32 s15, $0x1;
	_ =	swait.ge [sflag:s7], $0x10000  }
.Ltmp0:
0x31: {  	s31 =	sshll.u32 s17, $0x1;
	[sflag:s7] =	ssyncset.done $0x0;
	(pc) =	sbr.rel @!p0 .LBB2_2-.Ltmp0, $4  }
0x32: {  	s14 =	sadd.s32 s16, s31;
	[sflag:s7] =	ssyncadd.s32 $0xFFFF0000  }
0x33: {  	[hbm4b:s14+s2] =	stream.linear.scatter [tilespmem:s6], [sflag:$0x2], $0x10000, $0x38;
	[tilespmem:$0x11000] =	vst v63  }
0x34: {  	_ =	swait.ge [sflag:s3], $0x10000  }
0x35: {  	s15 =	sadd.s32 $0xFFFFFFFF, s15;
	[sflag:s3] =	ssyncset.done $0x0  }
.LBB2_1:
0x36: {  	p0 =	sne.s32 s15, $0x1;
	s15 =	sadd.s32 $0xFFFFFFFF, s15;
	[sflag:s3] =	ssyncadd.s32 $0xFFFF0000  }
0x37: {  	[tilespmem:s2], [sflag:$0x2] =	stream.linear.gather [hbm4b:s4+s2], $0x1000, $0x38;
	[tilespmem:$0x11000] =	vst v63  }
0x38: {  	_ =	swait.ge [sflag:s3], $0x1000  }
0x39: {  	[sflag:s3] =	ssyncset.done $0x0  }
0x3a: {  	[sflag:s3] =	ssyncadd.s32 $0xFFFFF000  }
0x3b: {  	[tilespmem:s6], [sflag:$0x1] =	stream.indirect.gather [hbm4b:s5+s6], $0x10, s2, s6, $0xb8;
	[tilespmem:$0x11000] =	vst v63  }
0x3c: {  	_ =	swait.ge [sflag:s7], $0x10000  }
0x3d: {  	[sflag:s7] =	ssyncset.done $0x0  }
0x3e: {  	[sflag:s7] =	ssyncadd.s32 $0xFFFF0000  }
0x3f: {  	[hbm4b:s8+s2] =	stream.linear.scatter [tilespmem:s6], [sflag:$0x2], $0x10000, $0x38;
	[tilespmem:$0x11000] =	vst v63  }
0x40: {  	_ =	swait.ge [sflag:s3], $0x10000  }
0x41: {  	[sflag:s3] =	ssyncset.done $0x0  }
0x42: {  	[sflag:s3] =	ssyncadd.s32 $0xFFFF0000  }
0x43: {  	[tilespmem:s2], [sflag:$0x2] =	stream.linear.gather [hbm4b:s9+s2], $0x1000, $0x38;
	[tilespmem:$0x11000] =	vst v63  }
0x44: {  	_ =	swait.ge [sflag:s3], $0x1000  }
0x45: {  	[sflag:s3] =	ssyncset.done $0x0  }
0x46: {  	[sflag:s3] =	ssyncadd.s32 $0xFFFFF000  }
0x47: {  	[tilespmem:s6], [sflag:$0x1] =	stream.indirect.gather [hbm4b:s5+s6], $0x10, s2, s6, $0xb8;
	[tilespmem:$0x11000] =	vst v63  }
0x48: {  	_ =	swait.ge [sflag:s7], $0x10000  }
0x49: {  	[sflag:s7] =	ssyncset.done $0x0  }
0x4a: {  	[sflag:s7] =	ssyncadd.s32 $0xFFFF0000  }
0x4b: {  	[hbm4b:s10+s2] =	stream.linear.scatter [tilespmem:s6], [sflag:$0x2], $0x10000, $0x38;
	[tilespmem:$0x11000] =	vst v63  }
0x4c: {  	_ =	swait.ge [sflag:s3], $0x10000  }
0x4d: {  	[sflag:s3] =	ssyncset.done $0x0  }
0x4e: {  	[sflag:s3] =	ssyncadd.s32 $0xFFFF0000  }
0x4f: {  	[tilespmem:s2], [sflag:$0x2] =	stream.linear.gather [hbm4b:s11+s2], $0x1000, $0x38;
	[tilespmem:$0x11000] =	vst v63  }
0x50: {  	_ =	swait.ge [sflag:s3], $0x1000  }
0x51: {  	[sflag:s3] =	ssyncset.done $0x0  }
0x52: {  	[sflag:s3] =	ssyncadd.s32 $0xFFFFF000  }
0x53: {  	[tilespmem:s6], [sflag:$0x1] =	stream.indirect.gather [hbm4b:s5+s6], $0x10, s2, s6, $0xb8;
	[tilespmem:$0x11000] =	vst v63  }
0x54: {  	_ =	swait.ge [sflag:s7], $0x10000  }
0x55: {  	[sflag:s7] =	ssyncset.done $0x0  }
0x56: {  	[sflag:s7] =	ssyncadd.s32 $0xFFFF0000  }
0x57: {  	[hbm4b:s12+s2] =	stream.linear.scatter [tilespmem:s6], [sflag:$0x2], $0x10000, $0x38;
	[tilespmem:$0x11000] =	vst v63  }
0x58: {  	_ =	swait.ge [sflag:s3], $0x10000  }
0x59: {  	[sflag:s3] =	ssyncset.done $0x0  }
0x5a: {  	[sflag:s3] =	ssyncadd.s32 $0xFFFF0000  }
0x5b: {  	[tilespmem:s2], [sflag:$0x2] =	stream.linear.gather [hbm4b:s13+s2], $0x1000, $0x38;
	[tilespmem:$0x11000] =	vst v63  }
0x5c: {  	_ =	swait.ge [sflag:s3], $0x1000  }
0x5d: {  	[sflag:s3] =	ssyncset.done $0x0  }
0x5e: {  	[sflag:s3] =	ssyncadd.s32 $0xFFFFF000  }
0x5f: {  	[tilespmem:s6], [sflag:$0x1] =	stream.indirect.gather [hbm4b:s5+s6], $0x10, s2, s6, $0xb8;
	[tilespmem:$0x11000] =	vst v63  }
0x60: {  	_ =	swait.ge [sflag:s7], $0x10000  }
.Ltmp1:
0x61: {  	[sflag:s7] =	ssyncset.done $0x0;
	(pc) =	sbr.rel @p0 .LBB2_1-.Ltmp1, $4  }
0x62: {  	[sflag:s7] =	ssyncadd.s32 $0xFFFF0000  }
0x63: {  	[hbm4b:s14+s2] =	stream.linear.scatter [tilespmem:s6], [sflag:$0x2], $0x10000, $0x38;
	[tilespmem:$0x11000] =	vst v63  }
0x64: {  	_ =	swait.ge [sflag:s3], $0x10000  }
0x65: {  	[sflag:s3] =	ssyncset.done $0x0  }
.LBB2_2:
0x66: {  	[sflag:s3] =	ssyncadd.s32 $0xFFFF0000  }
0x67: {  	_ =	sfence.sel $0x180000  }
0x68: {  	[bflag:$0x0] =	sbarrier.arrive $0xFFFF  }
0x69: {  	p0 =	sne.s32 s0, $0x0;
	_ =	strace $0x90000047  }
0x6a: {  	s0 =	sadd.s32 @!p0 $0x100000, s1;
	[bflag:$0x2] =	sbarrier.arrive $0xFFFF  }
0x6b: {  	[sflag:s0] =	ssyncadd.tile.s32 @!p0 $0x1;
	_ =	shalt  }
.Lfunc_end2:
_tile_overlayer_lowered:
.L_overlay_start_2:
0x6c: {  	(tag) =	ssettag $0x2  }
0x6d: {  	s0 =	rddreg [dreg:$0x0];
	s2 =	stileid.u32  }
0x6e: {  	s1 =	rddreg [dreg:$0x1];
	p0 =	sne.s32 s2, $0x0  }
0x6f: {  	s3 =	rddreg [dreg:$0x2];
	[bflag:$0x3] =	sbarrier.arrive $0xFFFF;
	s2 =	simm.s32 @!p0 $0x1C02  }
0x70: {  	[timem:s3], [sflag:s2] =	dma.local @!p0 [hbm:s0], s1  }
0x71: {  	s0 =	simm.s32 @!p0 $0x2  }
0x72: {  	_ =	swait.ge @!p0 [sflag:s0], s1  }
0x73: {  	s1 =	ssub.s32 @!p0 $0x0, s1;
	[sflag:s0] =	ssyncset.done @!p0 $0x0  }
0x74: {  	[sflag:s0] =	ssyncadd.s32 @!p0 s1  }
0x75: {  	[bflag:$0x3] =	sbarrier.arrive $0xFFFF  }
0x76: {  	_ =	shalt  }

</sc_bundles>
